<compile_context>
chip_gen: v7x
topology: tpu7x:2x2x1
jax: 0.10.2.dev20260603
libtpu: 0.0.44.dev20260713+nightly
codegen_flags: <defaults>
</compile_context>

<pallas_src>
import functools

import jax
import jax.numpy as jnp
from jax import lax
from jax.experimental import pallas as pl
from jax.experimental.pallas import tpu as pltpu
from jax.experimental.pallas import tpu_sc as plsc


def _copy_body(w_hbm, o_hbm, w_vmem, in_sem, out_sem, *, B, K, CT):
    ins = [
        pltpu.make_async_copy(
            w_hbm.at[pl.ds(k * CT, CT), :],
            w_vmem.at[pl.ds(k * CT, CT), :],
            in_sem.at[k],
        )
        for k in range(K)
    ]
    for c in ins:
        c.start()
    outs = []
    for k in range(K):
        ins[k].wait()
        for b in range(B):
            c = pltpu.make_async_copy(
                w_vmem.at[pl.ds(k * CT, CT), :],
                o_hbm.at[b, pl.ds(k * CT, CT), :],
                out_sem.at[b],
            )
            c.start()
            outs.append(c)
    for c in outs:
        c.wait()


def _tc_part(W, B, T, H):
    K = 4
    CT = T // K
    body = functools.partial(_copy_body, B=B, K=K, CT=CT)
    return pl.pallas_call(
        body,
        in_specs=[pl.BlockSpec(memory_space=pl.ANY)],
        out_specs=pl.BlockSpec(memory_space=pl.ANY),
        out_shape=jax.ShapeDtypeStruct((B, T, H), W.dtype),
        scratch_shapes=[
            pltpu.VMEM((T, H), W.dtype),
            pltpu.SemaphoreType.DMA((K,)),
            pltpu.SemaphoreType.DMA((B,)),
        ],
    )(W)


def _sc_part(W, B, T, H):
    info = plsc.get_sparse_core_info()
    NC, NS = info.num_cores, info.num_subcores
    NW = NC * NS
    CT = T // NW

    mesh = plsc.VectorSubcoreMesh(core_axis_name="c", subcore_axis_name="s")

    @functools.partial(
        pl.kernel,
        mesh=mesh,
        out_type=jax.ShapeDtypeStruct((B, T, H), W.dtype),
        scratch_types=[
            pltpu.VMEM((CT, H), W.dtype),
            pltpu.SemaphoreType.DMA,
        ],
    )
    def bcast(w_hbm, out_hbm, w_v, sem):
        wid = lax.axis_index("s") * NC + lax.axis_index("c")
        base = wid * CT
        pltpu.sync_copy(w_hbm.at[pl.ds(base, CT), :], w_v)
        copies = [
            pltpu.make_async_copy(w_v, out_hbm.at[b, pl.ds(base, CT), :], sem)
            for b in range(B)
        ]
        for c in copies:
            c.start()
        for c in copies:
            c.wait()

    return bcast(W)


def kernel(x, W):
    B = x.shape[0]
    T, H = W.shape
    B_SC = 1
    tc = _tc_part(W, B - B_SC, T, H)
    sc = _sc_part(W, B_SC, T, H)
    return jnp.concatenate([tc, sc], axis=0)

# --- scband reference (transcript-rebuilt; emitter-appended) ---
"""Pipeline reference for scband-trainable-positional-encoding-44375602102771 (READ-ONLY COPY).

The authoritative reference and input builder live on the scoring server;
editing this copy changes nothing except your own understanding.
"""

import jax, jax.numpy as jnp
import numpy as np


def setup_inputs(seed: int = 0) -> dict:
    key = jax.random.key(seed)
    k1, k2 = jax.random.split(key)
    x = jax.random.normal(k1, (4, 2048, 1024), dtype=jnp.float32)
    # learned positional embedding table: [max_len, d_model]
    W = jax.random.normal(k2, (2048, 1024), dtype=jnp.float32) * 0.02
    return {"x": x, "W": W}


def reference(x, W):
    # Faithful translation of TrainablePositionalEncoding.forward (eval mode, dropout = identity).
    # Note: the original module ignores the values of x; it only uses x's batch size.
    B, T, H = x.shape
    max_len = W.shape[0]
    position = jnp.broadcast_to(jnp.arange(max_len), (B, max_len))  # [B, max_len]
    out = jnp.take(W, position, axis=0)  # embedding lookup -> [B, max_len, d_model]
    return out

if __name__ == "__main__":
    import jax
    _d = setup_inputs()
    print(jax.jit(kernel)(*tuple(_d.values())))

</pallas_src>

<mosaic_0001>
#map = affine_map<(d0, d1) -> (0, 0)>
#map1 = affine_map<(d0, d1) -> (0, 0, 0)>
module attributes {stable_mosaic.version = 14 : i64} {
  func.func @bcast(%arg0: i32, %arg1: i32, %arg2: memref<2048x1024xf32, #tpu.memory_space<hbm>>, %arg3: memref<1x2048x1024xf32, #tpu.memory_space<hbm>>, %arg4: memref<64x1024xf32, #tpu.memory_space<vmem>>, %arg5: memref<!tpu.dma_semaphore, #tpu.memory_space<semaphore_mem>>) attributes {dimension_semantics = [#tpu.dimension_semantics<core_parallel>, #tpu.dimension_semantics<subcore_parallel>], iteration_bounds = array<i64: 2, 16>, scalar_prefetch = 0 : i64, scratch_operands = 2 : i64, tpu.core_type = #tpu.core_type<sc_vector_subcore>, window_params = [{transform_indices = #map}, {transform_indices = #map1}]} {
    %mul3A = arith.constant 2 : i32
    %mul3A_0 = arith.muli %arg1, %mul3A : i32
    %add3A = arith.addi %mul3A_0, %arg0 : i32
    %mul3A_1 = arith.constant 64 : i32
    %mul3A_2 = arith.muli %add3A, %mul3A_1 : i32
    "tpu.region"() ({
      %run_scoped3A = tpu.sem_alloc : memref<!tpu.dma_semaphore, #tpu.memory_space<semaphore_mem>>
      %dma_start3A_15 = arith.constant 0 : i32
      %dma_start3A_16 = tpu.memref_slice %arg2[%mul3A_2, %dma_start3A_15] : memref<2048x1024xf32, #tpu.memory_space<hbm>> -> memref<64x1024xf32, #tpu.memory_space<hbm>>
      %dma_start3A_17 = arith.constant 0 : i32
      %dma_start3A_18 = tpu.memref_slice %arg2[%mul3A_2, %dma_start3A_17] : memref<2048x1024xf32, #tpu.memory_space<hbm>> -> memref<64x1024xf32, #tpu.memory_space<hbm>>
      tpu.enqueue_dma source(%dma_start3A_18 : memref<64x1024xf32, #tpu.memory_space<hbm>>) target(%arg4 : memref<64x1024xf32, #tpu.memory_space<vmem>>) target_semaphore(%run_scoped3A : memref<!tpu.dma_semaphore, #tpu.memory_space<semaphore_mem>>)
      %dma_wait3A_19 = arith.constant 0 : i32
      %dma_wait3A_20 = tpu.memref_slice %arg2[%mul3A_2, %dma_wait3A_19] : memref<2048x1024xf32, #tpu.memory_space<hbm>> -> memref<64x1024xf32, #tpu.memory_space<hbm>>
      %dma_wait3A_21 = arith.constant 0 : i32
      %dma_wait3A_22 = tpu.memref_slice %arg2[%mul3A_2, %dma_wait3A_21] : memref<2048x1024xf32, #tpu.memory_space<hbm>> -> memref<64x1024xf32, #tpu.memory_space<hbm>>
      tpu.wait_dma2 semaphore(%run_scoped3A : memref<!tpu.dma_semaphore, #tpu.memory_space<semaphore_mem>>) src(%dma_wait3A_22 : memref<64x1024xf32, #tpu.memory_space<hbm>>) dst(%arg4 : memref<64x1024xf32, #tpu.memory_space<vmem>>)
      tpu.yield
    }) : () -> ()
    %dma_start3A = arith.constant 0 : i32
    %dma_start3A_3 = arith.constant 0 : i32
    %dma_start3A_4 = tpu.memref_slice %arg3[%dma_start3A, %mul3A_2, %dma_start3A_3] : memref<1x2048x1024xf32, #tpu.memory_space<hbm>> -> memref<1x64x1024xf32, #tpu.memory_space<hbm>>
    %dma_start3A_5 = tpu.memref_squeeze %dma_start3A_4 : memref<1x64x1024xf32, #tpu.memory_space<hbm>> -> memref<64x1024xf32, #tpu.memory_space<hbm>>
    %dma_start3A_6 = arith.constant 0 : i32
    %dma_start3A_7 = tpu.memref_slice %arg3[%dma_start3A, %mul3A_2, %dma_start3A_6] : memref<1x2048x1024xf32, #tpu.memory_space<hbm>> -> memref<1x64x1024xf32, #tpu.memory_space<hbm>>
    %dma_start3A_8 = tpu.memref_squeeze %dma_start3A_7 : memref<1x64x1024xf32, #tpu.memory_space<hbm>> -> memref<64x1024xf32, #tpu.memory_space<hbm>>
    tpu.enqueue_dma source(%arg4 : memref<64x1024xf32, #tpu.memory_space<vmem>>) target(%dma_start3A_8 : memref<64x1024xf32, #tpu.memory_space<hbm>>) target_semaphore(%arg5 : memref<!tpu.dma_semaphore, #tpu.memory_space<semaphore_mem>>)
    %dma_wait3A = arith.constant 0 : i32
    %dma_wait3A_9 = arith.constant 0 : i32
    %dma_wait3A_10 = tpu.memref_slice %arg3[%dma_wait3A, %mul3A_2, %dma_wait3A_9] : memref<1x2048x1024xf32, #tpu.memory_space<hbm>> -> memref<1x64x1024xf32, #tpu.memory_space<hbm>>
    %dma_wait3A_11 = tpu.memref_squeeze %dma_wait3A_10 : memref<1x64x1024xf32, #tpu.memory_space<hbm>> -> memref<64x1024xf32, #tpu.memory_space<hbm>>
    %dma_wait3A_12 = arith.constant 0 : i32
    %dma_wait3A_13 = tpu.memref_slice %arg3[%dma_wait3A, %mul3A_2, %dma_wait3A_12] : memref<1x2048x1024xf32, #tpu.memory_space<hbm>> -> memref<1x64x1024xf32, #tpu.memory_space<hbm>>
    %dma_wait3A_14 = tpu.memref_squeeze %dma_wait3A_13 : memref<1x64x1024xf32, #tpu.memory_space<hbm>> -> memref<64x1024xf32, #tpu.memory_space<hbm>>
    tpu.wait_dma2 semaphore(%arg5 : memref<!tpu.dma_semaphore, #tpu.memory_space<semaphore_mem>>) src(%arg4 : memref<64x1024xf32, #tpu.memory_space<vmem>>) dst(%dma_wait3A_14 : memref<64x1024xf32, #tpu.memory_space<hbm>>)
    return
  }
}

module attributes {stable_mosaic.version = 14 : i64} {
  func.func @_copy_body(%arg0: memref<2048x1024xf32, #tpu.memory_space<any>>, %arg1: memref<3x2048x1024xf32, #tpu.memory_space<any>>, %arg2: memref<2048x1024xf32, #tpu.memory_space<vmem>>, %arg3: memref<4x!tpu.dma_semaphore, #tpu.memory_space<semaphore_mem>>, %arg4: memref<3x!tpu.dma_semaphore, #tpu.memory_space<semaphore_mem>>) attributes {dimension_semantics = [], scalar_prefetch = 0 : i64, scratch_operands = 3 : i64, tpu.core_type = #tpu.core_type<tc>} {
    %dma_start3A = arith.constant 0 : i32
    %dma_start3A_0 = tpu.memref_slice %arg3[%dma_start3A] : memref<4x!tpu.dma_semaphore, #tpu.memory_space<semaphore_mem>> -> memref<1x!tpu.dma_semaphore, #tpu.memory_space<semaphore_mem>>
    %dma_start3A_1 = tpu.memref_squeeze %dma_start3A_0 : memref<1x!tpu.dma_semaphore, #tpu.memory_space<semaphore_mem>> -> memref<!tpu.dma_semaphore, #tpu.memory_space<semaphore_mem>>
    %dma_start3A_2 = arith.constant 0 : i32
    %dma_start3A_3 = arith.constant 0 : i32
    %dma_start3A_4 = tpu.memref_slice %arg2[%dma_start3A_2, %dma_start3A_3] : memref<2048x1024xf32, #tpu.memory_space<vmem>> -> memref<512x1024xf32, #tpu.memory_space<vmem>>
    %dma_start3A_5 = arith.constant 0 : i32
    %dma_start3A_6 = arith.constant 0 : i32
    %dma_start3A_7 = tpu.memref_slice %arg0[%dma_start3A_5, %dma_start3A_6] : memref<2048x1024xf32, #tpu.memory_space<any>> -> memref<512x1024xf32, #tpu.memory_space<any>>
    tpu.enqueue_dma source(%dma_start3A_7 : memref<512x1024xf32, #tpu.memory_space<any>>) target(%dma_start3A_4 : memref<512x1024xf32, #tpu.memory_space<vmem>>) target_semaphore(%dma_start3A_1 : memref<!tpu.dma_semaphore, #tpu.memory_space<semaphore_mem>>)
    %dma_start3A_8 = arith.constant 1 : i32
    %dma_start3A_9 = tpu.memref_slice %arg3[%dma_start3A_8] : memref<4x!tpu.dma_semaphore, #tpu.memory_space<semaphore_mem>> -> memref<1x!tpu.dma_semaphore, #tpu.memory_space<semaphore_mem>>
    %dma_start3A_10 = tpu.memref_squeeze %dma_start3A_9 : memref<1x!tpu.dma_semaphore, #tpu.memory_space<semaphore_mem>> -> memref<!tpu.dma_semaphore, #tpu.memory_space<semaphore_mem>>
    %dma_start3A_11 = arith.constant 512 : i32
    %dma_start3A_12 = arith.constant 0 : i32
    %dma_start3A_13 = tpu.memref_slice %arg2[%dma_start3A_11, %dma_start3A_12] : memref<2048x1024xf32, #tpu.memory_space<vmem>> -> memref<512x1024xf32, #tpu.memory_space<vmem>>
    %dma_start3A_14 = arith.constant 512 : i32
    %dma_start3A_15 = arith.constant 0 : i32
    %dma_start3A_16 = tpu.memref_slice %arg0[%dma_start3A_14, %dma_start3A_15] : memref<2048x1024xf32, #tpu.memory_space<any>> -> memref<512x1024xf32, #tpu.memory_space<any>>
    tpu.enqueue_dma source(%dma_start3A_16 : memref<512x1024xf32, #tpu.memory_space<any>>) target(%dma_start3A_13 : memref<512x1024xf32, #tpu.memory_space<vmem>>) target_semaphore(%dma_start3A_10 : memref<!tpu.dma_semaphore, #tpu.memory_space<semaphore_mem>>)
    %dma_start3A_17 = arith.constant 2 : i32
    %dma_start3A_18 = tpu.memref_slice %arg3[%dma_start3A_17] : memref<4x!tpu.dma_semaphore, #tpu.memory_space<semaphore_mem>> -> memref<1x!tpu.dma_semaphore, #tpu.memory_space<semaphore_mem>>
    %dma_start3A_19 = tpu.memref_squeeze %dma_start3A_18 : memref<1x!tpu.dma_semaphore, #tpu.memory_space<semaphore_mem>> -> memref<!tpu.dma_semaphore, #tpu.memory_space<semaphore_mem>>
    %dma_start3A_20 = arith.constant 1024 : i32
    %dma_start3A_21 = arith.constant 0 : i32
    %dma_start3A_22 = tpu.memref_slice %arg2[%dma_start3A_20, %dma_start3A_21] : memref<2048x1024xf32, #tpu.memory_space<vmem>> -> memref<512x1024xf32, #tpu.memory_space<vmem>>
    %dma_start3A_23 = arith.constant 1024 : i32
    %dma_start3A_24 = arith.constant 0 : i32
    %dma_start3A_25 = tpu.memref_slice %arg0[%dma_start3A_23, %dma_start3A_24] : memref<2048x1024xf32, #tpu.memory_space<any>> -> memref<512x1024xf32, #tpu.memory_space<any>>
    tpu.enqueue_dma source(%dma_start3A_25 : memref<512x1024xf32, #tpu.memory_space<any>>) target(%dma_start3A_22 : memref<512x1024xf32, #tpu.memory_space<vmem>>) target_semaphore(%dma_start3A_19 : memref<!tpu.dma_semaphore, #tpu.memory_space<semaphore_mem>>)
    %dma_start3A_26 = arith.constant 3 : i32
    %dma_start3A_27 = tpu.memref_slice %arg3[%dma_start3A_26] : memref<4x!tpu.dma_semaphore, #tpu.memory_space<semaphore_mem>> -> memref<1x!tpu.dma_semaphore, #tpu.memory_space<semaphore_mem>>
    %dma_start3A_28 = tpu.memref_squeeze %dma_start3A_27 : memref<1x!tpu.dma_semaphore, #tpu.memory_space<semaphore_mem>> -> memref<!tpu.dma_semaphore, #tpu.memory_space<semaphore_mem>>
    %dma_start3A_29 = arith.constant 1536 : i32
    %dma_start3A_30 = arith.constant 0 : i32
    %dma_start3A_31 = tpu.memref_slice %arg2[%dma_start3A_29, %dma_start3A_30] : memref<2048x1024xf32, #tpu.memory_space<vmem>> -> memref<512x1024xf32, #tpu.memory_space<vmem>>
    %dma_start3A_32 = arith.constant 1536 : i32
    %dma_start3A_33 = arith.constant 0 : i32
    %dma_start3A_34 = tpu.memref_slice %arg0[%dma_start3A_32, %dma_start3A_33] : memref<2048x1024xf32, #tpu.memory_space<any>> -> memref<512x1024xf32, #tpu.memory_space<any>>
    tpu.enqueue_dma source(%dma_start3A_34 : memref<512x1024xf32, #tpu.memory_space<any>>) target(%dma_start3A_31 : memref<512x1024xf32, #tpu.memory_space<vmem>>) target_semaphore(%dma_start3A_28 : memref<!tpu.dma_semaphore, #tpu.memory_space<semaphore_mem>>)
    %dma_wait3A = arith.constant 0 : i32
    %dma_wait3A_35 = tpu.memref_slice %arg3[%dma_wait3A] : memref<4x!tpu.dma_semaphore, #tpu.memory_space<semaphore_mem>> -> memref<1x!tpu.dma_semaphore, #tpu.memory_space<semaphore_mem>>
    %dma_wait3A_36 = tpu.memref_squeeze %dma_wait3A_35 : memref<1x!tpu.dma_semaphore, #tpu.memory_space<semaphore_mem>> -> memref<!tpu.dma_semaphore, #tpu.memory_space<semaphore_mem>>
    %dma_wait3A_37 = arith.constant 0 : i32
    %dma_wait3A_38 = arith.constant 0 : i32
    %dma_wait3A_39 = tpu.memref_slice %arg2[%dma_wait3A_37, %dma_wait3A_38] : memref<2048x1024xf32, #tpu.memory_space<vmem>> -> memref<512x1024xf32, #tpu.memory_space<vmem>>
    %dma_wait3A_40 = arith.constant 0 : i32
    %dma_wait3A_41 = arith.constant 0 : i32
    %dma_wait3A_42 = tpu.memref_slice %arg0[%dma_wait3A_40, %dma_wait3A_41] : memref<2048x1024xf32, #tpu.memory_space<any>> -> memref<512x1024xf32, #tpu.memory_space<any>>
    tpu.wait_dma2 semaphore(%dma_wait3A_36 : memref<!tpu.dma_semaphore, #tpu.memory_space<semaphore_mem>>) src(%dma_wait3A_42 : memref<512x1024xf32, #tpu.memory_space<any>>) dst(%dma_wait3A_39 : memref<512x1024xf32, #tpu.memory_space<vmem>>)
    %dma_start3A_43 = arith.constant 0 : i32
    %dma_start3A_44 = arith.constant 0 : i32
    %dma_start3A_45 = tpu.memref_slice %arg4[%dma_start3A_44] : memref<3x!tpu.dma_semaphore, #tpu.memory_space<semaphore_mem>> -> memref<1x!tpu.dma_semaphore, #tpu.memory_space<semaphore_mem>>
    %dma_start3A_46 = tpu.memref_squeeze %dma_start3A_45 : memref<1x!tpu.dma_semaphore, #tpu.memory_space<semaphore_mem>> -> memref<!tpu.dma_semaphore, #tpu.memory_space<semaphore_mem>>
    %dma_start3A_47 = arith.constant 0 : i32
    %dma_start3A_48 = arith.constant 0 : i32
    %dma_start3A_49 = tpu.memref_slice %arg1[%dma_start3A_43, %dma_start3A_47, %dma_start3A_48] : memref<3x2048x1024xf32, #tpu.memory_space<any>> -> memref<1x512x1024xf32, #tpu.memory_space<any>>
    %dma_start3A_50 = tpu.memref_squeeze %dma_start3A_49 : memref<1x512x1024xf32, #tpu.memory_space<any>> -> memref<512x1024xf32, #tpu.memory_space<any>>
    %dma_start3A_51 = arith.constant 0 : i32
    %dma_start3A_52 = arith.constant 0 : i32
    %dma_start3A_53 = tpu.memref_slice %arg2[%dma_start3A_51, %dma_start3A_52] : memref<2048x1024xf32, #tpu.memory_space<vmem>> -> memref<512x1024xf32, #tpu.memory_space<vmem>>
    tpu.enqueue_dma source(%dma_start3A_53 : memref<512x1024xf32, #tpu.memory_space<vmem>>) target(%dma_start3A_50 : memref<512x1024xf32, #tpu.memory_space<any>>) target_semaphore(%dma_start3A_46 : memref<!tpu.dma_semaphore, #tpu.memory_space<semaphore_mem>>)
    %dma_start3A_54 = arith.constant 1 : i32
    %dma_start3A_55 = arith.constant 1 : i32
    %dma_start3A_56 = tpu.memref_slice %arg4[%dma_start3A_55] : memref<3x!tpu.dma_semaphore, #tpu.memory_space<semaphore_mem>> -> memref<1x!tpu.dma_semaphore, #tpu.memory_space<semaphore_mem>>
    %dma_start3A_57 = tpu.memref_squeeze %dma_start3A_56 : memref<1x!tpu.dma_semaphore, #tpu.memory_space<semaphore_mem>> -> memref<!tpu.dma_semaphore, #tpu.memory_space<semaphore_mem>>
    %dma_start3A_58 = arith.constant 0 : i32
    %dma_start3A_59 = arith.constant 0 : i32
    %dma_start3A_60 = tpu.memref_slice %arg1[%dma_start3A_54, %dma_start3A_58, %dma_start3A_59] : memref<3x2048x1024xf32, #tpu.memory_space<any>> -> memref<1x512x1024xf32, #tpu.memory_space<any>>
    %dma_start3A_61 = tpu.memref_squeeze %dma_start3A_60 : memref<1x512x1024xf32, #tpu.memory_space<any>> -> memref<512x1024xf32, #tpu.memory_space<any>>
    %dma_start3A_62 = arith.constant 0 : i32
    %dma_start3A_63 = arith.constant 0 : i32
    %dma_start3A_64 = tpu.memref_slice %arg2[%dma_start3A_62, %dma_start3A_63] : memref<2048x1024xf32, #tpu.memory_space<vmem>> -> memref<512x1024xf32, #tpu.memory_space<vmem>>
    tpu.enqueue_dma source(%dma_start3A_64 : memref<512x1024xf32, #tpu.memory_space<vmem>>) target(%dma_start3A_61 : memref<512x1024xf32, #tpu.memory_space<any>>) target_semaphore(%dma_start3A_57 : memref<!tpu.dma_semaphore, #tpu.memory_space<semaphore_mem>>)
    %dma_start3A_65 = arith.constant 2 : i32
    %dma_start3A_66 = arith.constant 2 : i32
    %dma_start3A_67 = tpu.memref_slice %arg4[%dma_start3A_66] : memref<3x!tpu.dma_semaphore, #tpu.memory_space<semaphore_mem>> -> memref<1x!tpu.dma_semaphore, #tpu.memory_space<semaphore_mem>>
    %dma_start3A_68 = tpu.memref_squeeze %dma_start3A_67 : memref<1x!tpu.dma_semaphore, #tpu.memory_space<semaphore_mem>> -> memref<!tpu.dma_semaphore, #tpu.memory_space<semaphore_mem>>
    %dma_start3A_69 = arith.constant 0 : i32
    %dma_start3A_70 = arith.constant 0 : i32
    %dma_start3A_71 = tpu.memref_slice %arg1[%dma_start3A_65, %dma_start3A_69, %dma_start3A_70] : memref<3x2048x1024xf32, #tpu.memory_space<any>> -> memref<1x512x1024xf32, #tpu.memory_space<any>>
    %dma_start3A_72 = tpu.memref_squeeze %dma_start3A_71 : memref<1x512x1024xf32, #tpu.memory_space<any>> -> memref<512x1024xf32, #tpu.memory_space<any>>
    %dma_start3A_73 = arith.constant 0 : i32
    %dma_start3A_74 = arith.constant 0 : i32
    %dma_start3A_75 = tpu.memref_slice %arg2[%dma_start3A_73, %dma_start3A_74] : memref<2048x1024xf32, #tpu.memory_space<vmem>> -> memref<512x1024xf32, #tpu.memory_space<vmem>>
    tpu.enqueue_dma source(%dma_start3A_75 : memref<512x1024xf32, #tpu.memory_space<vmem>>) target(%dma_start3A_72 : memref<512x1024xf32, #tpu.memory_space<any>>) target_semaphore(%dma_start3A_68 : memref<!tpu.dma_semaphore, #tpu.memory_space<semaphore_mem>>)
    %dma_wait3A_76 = arith.constant 1 : i32
    %dma_wait3A_77 = tpu.memref_slice %arg3[%dma_wait3A_76] : memref<4x!tpu.dma_semaphore, #tpu.memory_space<semaphore_mem>> -> memref<1x!tpu.dma_semaphore, #tpu.memory_space<semaphore_mem>>
    %dma_wait3A_78 = tpu.memref_squeeze %dma_wait3A_77 : memref<1x!tpu.dma_semaphore, #tpu.memory_space<semaphore_mem>> -> memref<!tpu.dma_semaphore, #tpu.memory_space<semaphore_mem>>
    %dma_wait3A_79 = arith.constant 512 : i32
    %dma_wait3A_80 = arith.constant 0 : i32
    %dma_wait3A_81 = tpu.memref_slice %arg2[%dma_wait3A_79, %dma_wait3A_80] : memref<2048x1024xf32, #tpu.memory_space<vmem>> -> memref<512x1024xf32, #tpu.memory_space<vmem>>
    %dma_wait3A_82 = arith.constant 512 : i32
    %dma_wait3A_83 = arith.constant 0 : i32
    %dma_wait3A_84 = tpu.memref_slice %arg0[%dma_wait3A_82, %dma_wait3A_83] : memref<2048x1024xf32, #tpu.memory_space<any>> -> memref<512x1024xf32, #tpu.memory_space<any>>
    tpu.wait_dma2 semaphore(%dma_wait3A_78 : memref<!tpu.dma_semaphore, #tpu.memory_space<semaphore_mem>>) src(%dma_wait3A_84 : memref<512x1024xf32, #tpu.memory_space<any>>) dst(%dma_wait3A_81 : memref<512x1024xf32, #tpu.memory_space<vmem>>)
    %dma_start3A_85 = arith.constant 0 : i32
    %dma_start3A_86 = arith.constant 0 : i32
    %dma_start3A_87 = tpu.memref_slice %arg4[%dma_start3A_86] : memref<3x!tpu.dma_semaphore, #tpu.memory_space<semaphore_mem>> -> memref<1x!tpu.dma_semaphore, #tpu.memory_space<semaphore_mem>>
    %dma_start3A_88 = tpu.memref_squeeze %dma_start3A_87 : memref<1x!tpu.dma_semaphore, #tpu.memory_space<semaphore_mem>> -> memref<!tpu.dma_semaphore, #tpu.memory_space<semaphore_mem>>
    %dma_start3A_89 = arith.constant 512 : i32
    %dma_start3A_90 = arith.constant 0 : i32
    %dma_start3A_91 = tpu.memref_slice %arg1[%dma_start3A_85, %dma_start3A_89, %dma_start3A_90] : memref<3x2048x1024xf32, #tpu.memory_space<any>> -> memref<1x512x1024xf32, #tpu.memory_space<any>>
    %dma_start3A_92 = tpu.memref_squeeze %dma_start3A_91 : memref<1x512x1024xf32, #tpu.memory_space<any>> -> memref<512x1024xf32, #tpu.memory_space<any>>
    %dma_start3A_93 = arith.constant 512 : i32
    %dma_start3A_94 = arith.constant 0 : i32
    %dma_start3A_95 = tpu.memref_slice %arg2[%dma_start3A_93, %dma_start3A_94] : memref<2048x1024xf32, #tpu.memory_space<vmem>> -> memref<512x1024xf32, #tpu.memory_space<vmem>>
    tpu.enqueue_dma source(%dma_start3A_95 : memref<512x1024xf32, #tpu.memory_space<vmem>>) target(%dma_start3A_92 : memref<512x1024xf32, #tpu.memory_space<any>>) target_semaphore(%dma_start3A_88 : memref<!tpu.dma_semaphore, #tpu.memory_space<semaphore_mem>>)
    %dma_start3A_96 = arith.constant 1 : i32
    %dma_start3A_97 = arith.constant 1 : i32
    %dma_start3A_98 = tpu.memref_slice %arg4[%dma_start3A_97] : memref<3x!tpu.dma_semaphore, #tpu.memory_space<semaphore_mem>> -> memref<1x!tpu.dma_semaphore, #tpu.memory_space<semaphore_mem>>
    %dma_start3A_99 = tpu.memref_squeeze %dma_start3A_98 : memref<1x!tpu.dma_semaphore, #tpu.memory_space<semaphore_mem>> -> memref<!tpu.dma_semaphore, #tpu.memory_space<semaphore_mem>>
    %dma_start3A_100 = arith.constant 512 : i32
    %dma_start3A_101 = arith.constant 0 : i32
    %dma_start3A_102 = tpu.memref_slice %arg1[%dma_start3A_96, %dma_start3A_100, %dma_start3A_101] : memref<3x2048x1024xf32, #tpu.memory_space<any>> -> memref<1x512x1024xf32, #tpu.memory_space<any>>
    %dma_start3A_103 = tpu.memref_squeeze %dma_start3A_102 : memref<1x512x1024xf32, #tpu.memory_space<any>> -> memref<512x1024xf32, #tpu.memory_space<any>>
    %dma_start3A_104 = arith.constant 512 : i32
    %dma_start3A_105 = arith.constant 0 : i32
    %dma_start3A_106 = tpu.memref_slice %arg2[%dma_start3A_104, %dma_start3A_105] : memref<2048x1024xf32, #tpu.memory_space<vmem>> -> memref<512x1024xf32, #tpu.memory_space<vmem>>
    tpu.enqueue_dma source(%dma_start3A_106 : memref<512x1024xf32, #tpu.memory_space<vmem>>) target(%dma_start3A_103 : memref<512x1024xf32, #tpu.memory_space<any>>) target_semaphore(%dma_start3A_99 : memref<!tpu.dma_semaphore, #tpu.memory_space<semaphore_mem>>)
    %dma_start3A_107 = arith.constant 2 : i32
    %dma_start3A_108 = arith.constant 2 : i32
    %dma_start3A_109 = tpu.memref_slice %arg4[%dma_start3A_108] : memref<3x!tpu.dma_semaphore, #tpu.memory_space<semaphore_mem>> -> memref<1x!tpu.dma_semaphore, #tpu.memory_space<semaphore_mem>>
    %dma_start3A_110 = tpu.memref_squeeze %dma_start3A_109 : memref<1x!tpu.dma_semaphore, #tpu.memory_space<semaphore_mem>> -> memref<!tpu.dma_semaphore, #tpu.memory_space<semaphore_mem>>
    %dma_start3A_111 = arith.constant 512 : i32
    %dma_start3A_112 = arith.constant 0 : i32
    %dma_start3A_113 = tpu.memref_slice %arg1[%dma_start3A_107, %dma_start3A_111, %dma_start3A_112] : memref<3x2048x1024xf32, #tpu.memory_space<any>> -> memref<1x512x1024xf32, #tpu.memory_space<any>>
    %dma_start3A_114 = tpu.memref_squeeze %dma_start3A_113 : memref<1x512x1024xf32, #tpu.memory_space<any>> -> memref<512x1024xf32, #tpu.memory_space<any>>
    %dma_start3A_115 = arith.constant 512 : i32
    %dma_start3A_116 = arith.constant 0 : i32
    %dma_start3A_117 = tpu.memref_slice %arg2[%dma_start3A_115, %dma_start3A_116] : memref<2048x1024xf32, #tpu.memory_space<vmem>> -> memref<512x1024xf32, #tpu.memory_space<vmem>>
    tpu.enqueue_dma source(%dma_start3A_117 : memref<512x1024xf32, #tpu.memory_space<vmem>>) target(%dma_start3A_114 : memref<512x1024xf32, #tpu.memory_space<any>>) target_semaphore(%dma_start3A_110 : memref<!tpu.dma_semaphore, #tpu.memory_space<semaphore_mem>>)
    %dma_wait3A_118 = arith.constant 2 : i32
    %dma_wait3A_119 = tpu.memref_slice %arg3[%dma_wait3A_118] : memref<4x!tpu.dma_semaphore, #tpu.memory_space<semaphore_mem>> -> memref<1x!tpu.dma_semaphore, #tpu.memory_space<semaphore_mem>>
    %dma_wait3A_120 = tpu.memref_squeeze %dma_wait3A_119 : memref<1x!tpu.dma_semaphore, #tpu.memory_space<semaphore_mem>> -> memref<!tpu.dma_semaphore, #tpu.memory_space<semaphore_mem>>
    %dma_wait3A_121 = arith.constant 1024 : i32
    %dma_wait3A_122 = arith.constant 0 : i32
    %dma_wait3A_123 = tpu.memref_slice %arg2[%dma_wait3A_121, %dma_wait3A_122] : memref<2048x1024xf32, #tpu.memory_space<vmem>> -> memref<512x1024xf32, #tpu.memory_space<vmem>>
    %dma_wait3A_124 = arith.constant 1024 : i32
    %dma_wait3A_125 = arith.constant 0 : i32
    %dma_wait3A_126 = tpu.memref_slice %arg0[%dma_wait3A_124, %dma_wait3A_125] : memref<2048x1024xf32, #tpu.memory_space<any>> -> memref<512x1024xf32, #tpu.memory_space<any>>
    tpu.wait_dma2 semaphore(%dma_wait3A_120 : memref<!tpu.dma_semaphore, #tpu.memory_space<semaphore_mem>>) src(%dma_wait3A_126 : memref<512x1024xf32, #tpu.memory_space<any>>) dst(%dma_wait3A_123 : memref<512x1024xf32, #tpu.memory_space<vmem>>)
    %dma_start3A_127 = arith.constant 0 : i32
    %dma_start3A_128 = arith.constant 0 : i32
    %dma_start3A_129 = tpu.memref_slice %arg4[%dma_start3A_128] : memref<3x!tpu.dma_semaphore, #tpu.memory_space<semaphore_mem>> -> memref<1x!tpu.dma_semaphore, #tpu.memory_space<semaphore_mem>>
    %dma_start3A_130 = tpu.memref_squeeze %dma_start3A_129 : memref<1x!tpu.dma_semaphore, #tpu.memory_space<semaphore_mem>> -> memref<!tpu.dma_semaphore, #tpu.memory_space<semaphore_mem>>
    %dma_start3A_131 = arith.constant 1024 : i32
    %dma_start3A_132 = arith.constant 0 : i32
    %dma_start3A_133 = tpu.memref_slice %arg1[%dma_start3A_127, %dma_start3A_131, %dma_start3A_132] : memref<3x2048x1024xf32, #tpu.memory_space<any>> -> memref<1x512x1024xf32, #tpu.memory_space<any>>
    %dma_start3A_134 = tpu.memref_squeeze %dma_start3A_133 : memref<1x512x1024xf32, #tpu.memory_space<any>> -> memref<512x1024xf32, #tpu.memory_space<any>>
    %dma_start3A_135 = arith.constant 1024 : i32
    %dma_start3A_136 = arith.constant 0 : i32
    %dma_start3A_137 = tpu.memref_slice %arg2[%dma_start3A_135, %dma_start3A_136] : memref<2048x1024xf32, #tpu.memory_space<vmem>> -> memref<512x1024xf32, #tpu.memory_space<vmem>>
    tpu.enqueue_dma source(%dma_start3A_137 : memref<512x1024xf32, #tpu.memory_space<vmem>>) target(%dma_start3A_134 : memref<512x1024xf32, #tpu.memory_space<any>>) target_semaphore(%dma_start3A_130 : memref<!tpu.dma_semaphore, #tpu.memory_space<semaphore_mem>>)
    %dma_start3A_138 = arith.constant 1 : i32
    %dma_start3A_139 = arith.constant 1 : i32
    %dma_start3A_140 = tpu.memref_slice %arg4[%dma_start3A_139] : memref<3x!tpu.dma_semaphore, #tpu.memory_space<semaphore_mem>> -> memref<1x!tpu.dma_semaphore, #tpu.memory_space<semaphore_mem>>
    %dma_start3A_141 = tpu.memref_squeeze %dma_start3A_140 : memref<1x!tpu.dma_semaphore, #tpu.memory_space<semaphore_mem>> -> memref<!tpu.dma_semaphore, #tpu.memory_space<semaphore_mem>>
    %dma_start3A_142 = arith.constant 1024 : i32
    %dma_start3A_143 = arith.constant 0 : i32
    %dma_start3A_144 = tpu.memref_slice %arg1[%dma_start3A_138, %dma_start3A_142, %dma_start3A_143] : memref<3x2048x1024xf32, #tpu.memory_space<any>> -> memref<1x512x1024xf32, #tpu.memory_space<any>>
    %dma_start3A_145 = tpu.memref_squeeze %dma_start3A_144 : memref<1x512x1024xf32, #tpu.memory_space<any>> -> memref<512x1024xf32, #tpu.memory_space<any>>
    %dma_start3A_146 = arith.constant 1024 : i32
    %dma_start3A_147 = arith.constant 0 : i32
    %dma_start3A_148 = tpu.memref_slice %arg2[%dma_start3A_146, %dma_start3A_147] : memref<2048x1024xf32, #tpu.memory_space<vmem>> -> memref<512x1024xf32, #tpu.memory_space<vmem>>
    tpu.enqueue_dma source(%dma_start3A_148 : memref<512x1024xf32, #tpu.memory_space<vmem>>) target(%dma_start3A_145 : memref<512x1024xf32, #tpu.memory_space<any>>) target_semaphore(%dma_start3A_141 : memref<!tpu.dma_semaphore, #tpu.memory_space<semaphore_mem>>)
    %dma_start3A_149 = arith.constant 2 : i32
    %dma_start3A_150 = arith.constant 2 : i32
    %dma_start3A_151 = tpu.memref_slice %arg4[%dma_start3A_150] : memref<3x!tpu.dma_semaphore, #tpu.memory_space<semaphore_mem>> -> memref<1x!tpu.dma_semaphore, #tpu.memory_space<semaphore_mem>>
    %dma_start3A_152 = tpu.memref_squeeze %dma_start3A_151 : memref<1x!tpu.dma_semaphore, #tpu.memory_space<semaphore_mem>> -> memref<!tpu.dma_semaphore, #tpu.memory_space<semaphore_mem>>
    %dma_start3A_153 = arith.constant 1024 : i32
    %dma_start3A_154 = arith.constant 0 : i32
    %dma_start3A_155 = tpu.memref_slice %arg1[%dma_start3A_149, %dma_start3A_153, %dma_start3A_154] : memref<3x2048x1024xf32, #tpu.memory_space<any>> -> memref<1x512x1024xf32, #tpu.memory_space<any>>
    %dma_start3A_156 = tpu.memref_squeeze %dma_start3A_155 : memref<1x512x1024xf32, #tpu.memory_space<any>> -> memref<512x1024xf32, #tpu.memory_space<any>>
    %dma_start3A_157 = arith.constant 1024 : i32
    %dma_start3A_158 = arith.constant 0 : i32
    %dma_start3A_159 = tpu.memref_slice %arg2[%dma_start3A_157, %dma_start3A_158] : memref<2048x1024xf32, #tpu.memory_space<vmem>> -> memref<512x1024xf32, #tpu.memory_space<vmem>>
    tpu.enqueue_dma source(%dma_start3A_159 : memref<512x1024xf32, #tpu.memory_space<vmem>>) target(%dma_start3A_156 : memref<512x1024xf32, #tpu.memory_space<any>>) target_semaphore(%dma_start3A_152 : memref<!tpu.dma_semaphore, #tpu.memory_space<semaphore_mem>>)
    %dma_wait3A_160 = arith.constant 3 : i32
    %dma_wait3A_161 = tpu.memref_slice %arg3[%dma_wait3A_160] : memref<4x!tpu.dma_semaphore, #tpu.memory_space<semaphore_mem>> -> memref<1x!tpu.dma_semaphore, #tpu.memory_space<semaphore_mem>>
    %dma_wait3A_162 = tpu.memref_squeeze %dma_wait3A_161 : memref<1x!tpu.dma_semaphore, #tpu.memory_space<semaphore_mem>> -> memref<!tpu.dma_semaphore, #tpu.memory_space<semaphore_mem>>
    %dma_wait3A_163 = arith.constant 1536 : i32
    %dma_wait3A_164 = arith.constant 0 : i32
    %dma_wait3A_165 = tpu.memref_slice %arg2[%dma_wait3A_163, %dma_wait3A_164] : memref<2048x1024xf32, #tpu.memory_space<vmem>> -> memref<512x1024xf32, #tpu.memory_space<vmem>>
    %dma_wait3A_166 = arith.constant 1536 : i32
    %dma_wait3A_167 = arith.constant 0 : i32
    %dma_wait3A_168 = tpu.memref_slice %arg0[%dma_wait3A_166, %dma_wait3A_167] : memref<2048x1024xf32, #tpu.memory_space<any>> -> memref<512x1024xf32, #tpu.memory_space<any>>
    tpu.wait_dma2 semaphore(%dma_wait3A_162 : memref<!tpu.dma_semaphore, #tpu.memory_space<semaphore_mem>>) src(%dma_wait3A_168 : memref<512x1024xf32, #tpu.memory_space<any>>) dst(%dma_wait3A_165 : memref<512x1024xf32, #tpu.memory_space<vmem>>)
    %dma_start3A_169 = arith.constant 0 : i32
    %dma_start3A_170 = arith.constant 0 : i32
    %dma_start3A_171 = tpu.memref_slice %arg4[%dma_start3A_170] : memref<3x!tpu.dma_semaphore, #tpu.memory_space<semaphore_mem>> -> memref<1x!tpu.dma_semaphore, #tpu.memory_space<semaphore_mem>>
    %dma_start3A_172 = tpu.memref_squeeze %dma_start3A_171 : memref<1x!tpu.dma_semaphore, #tpu.memory_space<semaphore_mem>> -> memref<!tpu.dma_semaphore, #tpu.memory_space<semaphore_mem>>
    %dma_start3A_173 = arith.constant 1536 : i32
    %dma_start3A_174 = arith.constant 0 : i32
    %dma_start3A_175 = tpu.memref_slice %arg1[%dma_start3A_169, %dma_start3A_173, %dma_start3A_174] : memref<3x2048x1024xf32, #tpu.memory_space<any>> -> memref<1x512x1024xf32, #tpu.memory_space<any>>
    %dma_start3A_176 = tpu.memref_squeeze %dma_start3A_175 : memref<1x512x1024xf32, #tpu.memory_space<any>> -> memref<512x1024xf32, #tpu.memory_space<any>>
    %dma_start3A_177 = arith.constant 1536 : i32
    %dma_start3A_178 = arith.constant 0 : i32
    %dma_start3A_179 = tpu.memref_slice %arg2[%dma_start3A_177, %dma_start3A_178] : memref<2048x1024xf32, #tpu.memory_space<vmem>> -> memref<512x1024xf32, #tpu.memory_space<vmem>>
    tpu.enqueue_dma source(%dma_start3A_179 : memref<512x1024xf32, #tpu.memory_space<vmem>>) target(%dma_start3A_176 : memref<512x1024xf32, #tpu.memory_space<any>>) target_semaphore(%dma_start3A_172 : memref<!tpu.dma_semaphore, #tpu.memory_space<semaphore_mem>>)
    %dma_start3A_180 = arith.constant 1 : i32
    %dma_start3A_181 = arith.constant 1 : i32
    %dma_start3A_182 = tpu.memref_slice %arg4[%dma_start3A_181] : memref<3x!tpu.dma_semaphore, #tpu.memory_space<semaphore_mem>> -> memref<1x!tpu.dma_semaphore, #tpu.memory_space<semaphore_mem>>
    %dma_start3A_183 = tpu.memref_squeeze %dma_start3A_182 : memref<1x!tpu.dma_semaphore, #tpu.memory_space<semaphore_mem>> -> memref<!tpu.dma_semaphore, #tpu.memory_space<semaphore_mem>>
    %dma_start3A_184 = arith.constant 1536 : i32
    %dma_start3A_185 = arith.constant 0 : i32
    %dma_start3A_186 = tpu.memref_slice %arg1[%dma_start3A_180, %dma_start3A_184, %dma_start3A_185] : memref<3x2048x1024xf32, #tpu.memory_space<any>> -> memref<1x512x1024xf32, #tpu.memory_space<any>>
    %dma_start3A_187 = tpu.memref_squeeze %dma_start3A_186 : memref<1x512x1024xf32, #tpu.memory_space<any>> -> memref<512x1024xf32, #tpu.memory_space<any>>
    %dma_start3A_188 = arith.constant 1536 : i32
    %dma_start3A_189 = arith.constant 0 : i32
    %dma_start3A_190 = tpu.memref_slice %arg2[%dma_start3A_188, %dma_start3A_189] : memref<2048x1024xf32, #tpu.memory_space<vmem>> -> memref<512x1024xf32, #tpu.memory_space<vmem>>
    tpu.enqueue_dma source(%dma_start3A_190 : memref<512x1024xf32, #tpu.memory_space<vmem>>) target(%dma_start3A_187 : memref<512x1024xf32, #tpu.memory_space<any>>) target_semaphore(%dma_start3A_183 : memref<!tpu.dma_semaphore, #tpu.memory_space<semaphore_mem>>)
    %dma_start3A_191 = arith.constant 2 : i32
    %dma_start3A_192 = arith.constant 2 : i32
    %dma_start3A_193 = tpu.memref_slice %arg4[%dma_start3A_192] : memref<3x!tpu.dma_semaphore, #tpu.memory_space<semaphore_mem>> -> memref<1x!tpu.dma_semaphore, #tpu.memory_space<semaphore_mem>>
    %dma_start3A_194 = tpu.memref_squeeze %dma_start3A_193 : memref<1x!tpu.dma_semaphore, #tpu.memory_space<semaphore_mem>> -> memref<!tpu.dma_semaphore, #tpu.memory_space<semaphore_mem>>
    %dma_start3A_195 = arith.constant 1536 : i32
    %dma_start3A_196 = arith.constant 0 : i32
    %dma_start3A_197 = tpu.memref_slice %arg1[%dma_start3A_191, %dma_start3A_195, %dma_start3A_196] : memref<3x2048x1024xf32, #tpu.memory_space<any>> -> memref<1x512x1024xf32, #tpu.memory_space<any>>
    %dma_start3A_198 = tpu.memref_squeeze %dma_start3A_197 : memref<1x512x1024xf32, #tpu.memory_space<any>> -> memref<512x1024xf32, #tpu.memory_space<any>>
    %dma_start3A_199 = arith.constant 1536 : i32
    %dma_start3A_200 = arith.constant 0 : i32
    %dma_start3A_201 = tpu.memref_slice %arg2[%dma_start3A_199, %dma_start3A_200] : memref<2048x1024xf32, #tpu.memory_space<vmem>> -> memref<512x1024xf32, #tpu.memory_space<vmem>>
    tpu.enqueue_dma source(%dma_start3A_201 : memref<512x1024xf32, #tpu.memory_space<vmem>>) target(%dma_start3A_198 : memref<512x1024xf32, #tpu.memory_space<any>>) target_semaphore(%dma_start3A_194 : memref<!tpu.dma_semaphore, #tpu.memory_space<semaphore_mem>>)
    %dma_wait3A_202 = arith.constant 0 : i32
    %dma_wait3A_203 = arith.constant 0 : i32
    %dma_wait3A_204 = tpu.memref_slice %arg4[%dma_wait3A_203] : memref<3x!tpu.dma_semaphore, #tpu.memory_space<semaphore_mem>> -> memref<1x!tpu.dma_semaphore, #tpu.memory_space<semaphore_mem>>
    %dma_wait3A_205 = tpu.memref_squeeze %dma_wait3A_204 : memref<1x!tpu.dma_semaphore, #tpu.memory_space<semaphore_mem>> -> memref<!tpu.dma_semaphore, #tpu.memory_space<semaphore_mem>>
    %dma_wait3A_206 = arith.constant 0 : i32
    %dma_wait3A_207 = arith.constant 0 : i32
    %dma_wait3A_208 = tpu.memref_slice %arg1[%dma_wait3A_202, %dma_wait3A_206, %dma_wait3A_207] : memref<3x2048x1024xf32, #tpu.memory_space<any>> -> memref<1x512x1024xf32, #tpu.memory_space<any>>
    %dma_wait3A_209 = tpu.memref_squeeze %dma_wait3A_208 : memref<1x512x1024xf32, #tpu.memory_space<any>> -> memref<512x1024xf32, #tpu.memory_space<any>>
    %dma_wait3A_210 = arith.constant 0 : i32
    %dma_wait3A_211 = arith.constant 0 : i32
    %dma_wait3A_212 = tpu.memref_slice %arg2[%dma_wait3A_210, %dma_wait3A_211] : memref<2048x1024xf32, #tpu.memory_space<vmem>> -> memref<512x1024xf32, #tpu.memory_space<vmem>>
    tpu.wait_dma2 semaphore(%dma_wait3A_205 : memref<!tpu.dma_semaphore, #tpu.memory_space<semaphore_mem>>) src(%dma_wait3A_212 : memref<512x1024xf32, #tpu.memory_space<vmem>>) dst(%dma_wait3A_209 : memref<512x1024xf32, #tpu.memory_space<any>>)
    %dma_wait3A_213 = arith.constant 1 : i32
    %dma_wait3A_214 = arith.constant 1 : i32
    %dma_wait3A_215 = tpu.memref_slice %arg4[%dma_wait3A_214] : memref<3x!tpu.dma_semaphore, #tpu.memory_space<semaphore_mem>> -> memref<1x!tpu.dma_semaphore, #tpu.memory_space<semaphore_mem>>
    %dma_wait3A_216 = tpu.memref_squeeze %dma_wait3A_215 : memref<1x!tpu.dma_semaphore, #tpu.memory_space<semaphore_mem>> -> memref<!tpu.dma_semaphore, #tpu.memory_space<semaphore_mem>>
    %dma_wait3A_217 = arith.constant 0 : i32
    %dma_wait3A_218 = arith.constant 0 : i32
    %dma_wait3A_219 = tpu.memref_slice %arg1[%dma_wait3A_213, %dma_wait3A_217, %dma_wait3A_218] : memref<3x2048x1024xf32, #tpu.memory_space<any>> -> memref<1x512x1024xf32, #tpu.memory_space<any>>
    %dma_wait3A_220 = tpu.memref_squeeze %dma_wait3A_219 : memref<1x512x1024xf32, #tpu.memory_space<any>> -> memref<512x1024xf32, #tpu.memory_space<any>>
    %dma_wait3A_221 = arith.constant 0 : i32
    %dma_wait3A_222 = arith.constant 0 : i32
    %dma_wait3A_223 = tpu.memref_slice %arg2[%dma_wait3A_221, %dma_wait3A_222] : memref<2048x1024xf32, #tpu.memory_space<vmem>> -> memref<512x1024xf32, #tpu.memory_space<vmem>>
    tpu.wait_dma2 semaphore(%dma_wait3A_216 : memref<!tpu.dma_semaphore, #tpu.memory_space<semaphore_mem>>) src(%dma_wait3A_223 : memref<512x1024xf32, #tpu.memory_space<vmem>>) dst(%dma_wait3A_220 : memref<512x1024xf32, #tpu.memory_space<any>>)
    %dma_wait3A_224 = arith.constant 2 : i32
    %dma_wait3A_225 = arith.constant 2 : i32
    %dma_wait3A_226 = tpu.memref_slice %arg4[%dma_wait3A_225] : memref<3x!tpu.dma_semaphore, #tpu.memory_space<semaphore_mem>> -> memref<1x!tpu.dma_semaphore, #tpu.memory_space<semaphore_mem>>
    %dma_wait3A_227 = tpu.memref_squeeze %dma_wait3A_226 : memref<1x!tpu.dma_semaphore, #tpu.memory_space<semaphore_mem>> -> memref<!tpu.dma_semaphore, #tpu.memory_space<semaphore_mem>>
    %dma_wait3A_228 = arith.constant 0 : i32
    %dma_wait3A_229 = arith.constant 0 : i32
    %dma_wait3A_230 = tpu.memref_slice %arg1[%dma_wait3A_224, %dma_wait3A_228, %dma_wait3A_229] : memref<3x2048x1024xf32, #tpu.memory_space<any>> -> memref<1x512x1024xf32, #tpu.memory_space<any>>
    %dma_wait3A_231 = tpu.memref_squeeze %dma_wait3A_230 : memref<1x512x1024xf32, #tpu.memory_space<any>> -> memref<512x1024xf32, #tpu.memory_space<any>>
    %dma_wait3A_232 = arith.constant 0 : i32
    %dma_wait3A_233 = arith.constant 0 : i32
    %dma_wait3A_234 = tpu.memref_slice %arg2[%dma_wait3A_232, %dma_wait3A_233] : memref<2048x1024xf32, #tpu.memory_space<vmem>> -> memref<512x1024xf32, #tpu.memory_space<vmem>>
    tpu.wait_dma2 semaphore(%dma_wait3A_227 : memref<!tpu.dma_semaphore, #tpu.memory_space<semaphore_mem>>) src(%dma_wait3A_234 : memref<512x1024xf32, #tpu.memory_space<vmem>>) dst(%dma_wait3A_231 : memref<512x1024xf32, #tpu.memory_space<any>>)
    %dma_wait3A_235 = arith.constant 0 : i32
    %dma_wait3A_236 = arith.constant 0 : i32
    %dma_wait3A_237 = tpu.memref_slice %arg4[%dma_wait3A_236] : memref<3x!tpu.dma_semaphore, #tpu.memory_space<semaphore_mem>> -> memref<1x!tpu.dma_semaphore, #tpu.memory_space<semaphore_mem>>
    %dma_wait3A_238 = tpu.memref_squeeze %dma_wait3A_237 : memref<1x!tpu.dma_semaphore, #tpu.memory_space<semaphore_mem>> -> memref<!tpu.dma_semaphore, #tpu.memory_space<semaphore_mem>>
    %dma_wait3A_239 = arith.constant 512 : i32
    %dma_wait3A_240 = arith.constant 0 : i32
    %dma_wait3A_241 = tpu.memref_slice %arg1[%dma_wait3A_235, %dma_wait3A_239, %dma_wait3A_240] : memref<3x2048x1024xf32, #tpu.memory_space<any>> -> memref<1x512x1024xf32, #tpu.memory_space<any>>
    %dma_wait3A_242 = tpu.memref_squeeze %dma_wait3A_241 : memref<1x512x1024xf32, #tpu.memory_space<any>> -> memref<512x1024xf32, #tpu.memory_space<any>>
    %dma_wait3A_243 = arith.constant 512 : i32
    %dma_wait3A_244 = arith.constant 0 : i32
    %dma_wait3A_245 = tpu.memref_slice %arg2[%dma_wait3A_243, %dma_wait3A_244] : memref<2048x1024xf32, #tpu.memory_space<vmem>> -> memref<512x1024xf32, #tpu.memory_space<vmem>>
    tpu.wait_dma2 semaphore(%dma_wait3A_238 : memref<!tpu.dma_semaphore, #tpu.memory_space<semaphore_mem>>) src(%dma_wait3A_245 : memref<512x1024xf32, #tpu.memory_space<vmem>>) dst(%dma_wait3A_242 : memref<512x1024xf32, #tpu.memory_space<any>>)
    %dma_wait3A_246 = arith.constant 1 : i32
    %dma_wait3A_247 = arith.constant 1 : i32
    %dma_wait3A_248 = tpu.memref_slice %arg4[%dma_wait3A_247] : memref<3x!tpu.dma_semaphore, #tpu.memory_space<semaphore_mem>> -> memref<1x!tpu.dma_semaphore, #tpu.memory_space<semaphore_mem>>
    %dma_wait3A_249 = tpu.memref_squeeze %dma_wait3A_248 : memref<1x!tpu.dma_semaphore, #tpu.memory_space<semaphore_mem>> -> memref<!tpu.dma_semaphore, #tpu.memory_space<semaphore_mem>>
    %dma_wait3A_250 = arith.constant 512 : i32
    %dma_wait3A_251 = arith.constant 0 : i32
    %dma_wait3A_252 = tpu.memref_slice %arg1[%dma_wait3A_246, %dma_wait3A_250, %dma_wait3A_251] : memref<3x2048x1024xf32, #tpu.memory_space<any>> -> memref<1x512x1024xf32, #tpu.memory_space<any>>
    %dma_wait3A_253 = tpu.memref_squeeze %dma_wait3A_252 : memref<1x512x1024xf32, #tpu.memory_space<any>> -> memref<512x1024xf32, #tpu.memory_space<any>>
    %dma_wait3A_254 = arith.constant 512 : i32
    %dma_wait3A_255 = arith.constant 0 : i32
    %dma_wait3A_256 = tpu.memref_slice %arg2[%dma_wait3A_254, %dma_wait3A_255] : memref<2048x1024xf32, #tpu.memory_space<vmem>> -> memref<512x1024xf32, #tpu.memory_space<vmem>>
    tpu.wait_dma2 semaphore(%dma_wait3A_249 : memref<!tpu.dma_semaphore, #tpu.memory_space<semaphore_mem>>) src(%dma_wait3A_256 : memref<512x1024xf32, #tpu.memory_space<vmem>>) dst(%dma_wait3A_253 : memref<512x1024xf32, #tpu.memory_space<any>>)
    %dma_wait3A_257 = arith.constant 2 : i32
    %dma_wait3A_258 = arith.constant 2 : i32
    %dma_wait3A_259 = tpu.memref_slice %arg4[%dma_wait3A_258] : memref<3x!tpu.dma_semaphore, #tpu.memory_space<semaphore_mem>> -> memref<1x!tpu.dma_semaphore, #tpu.memory_space<semaphore_mem>>
    %dma_wait3A_260 = tpu.memref_squeeze %dma_wait3A_259 : memref<1x!tpu.dma_semaphore, #tpu.memory_space<semaphore_mem>> -> memref<!tpu.dma_semaphore, #tpu.memory_space<semaphore_mem>>
    %dma_wait3A_261 = arith.constant 512 : i32
    %dma_wait3A_262 = arith.constant 0 : i32
    %dma_wait3A_263 = tpu.memref_slice %arg1[%dma_wait3A_257, %dma_wait3A_261, %dma_wait3A_262] : memref<3x2048x1024xf32, #tpu.memory_space<any>> -> memref<1x512x1024xf32, #tpu.memory_space<any>>
    %dma_wait3A_264 = tpu.memref_squeeze %dma_wait3A_263 : memref<1x512x1024xf32, #tpu.memory_space<any>> -> memref<512x1024xf32, #tpu.memory_space<any>>
    %dma_wait3A_265 = arith.constant 512 : i32
    %dma_wait3A_266 = arith.constant 0 : i32
    %dma_wait3A_267 = tpu.memref_slice %arg2[%dma_wait3A_265, %dma_wait3A_266] : memref<2048x1024xf32, #tpu.memory_space<vmem>> -> memref<512x1024xf32, #tpu.memory_space<vmem>>
    tpu.wait_dma2 semaphore(%dma_wait3A_260 : memref<!tpu.dma_semaphore, #tpu.memory_space<semaphore_mem>>) src(%dma_wait3A_267 : memref<512x1024xf32, #tpu.memory_space<vmem>>) dst(%dma_wait3A_264 : memref<512x1024xf32, #tpu.memory_space<any>>)
    %dma_wait3A_268 = arith.constant 0 : i32
    %dma_wait3A_269 = arith.constant 0 : i32
    %dma_wait3A_270 = tpu.memref_slice %arg4[%dma_wait3A_269] : memref<3x!tpu.dma_semaphore, #tpu.memory_space<semaphore_mem>> -> memref<1x!tpu.dma_semaphore, #tpu.memory_space<semaphore_mem>>
    %dma_wait3A_271 = tpu.memref_squeeze %dma_wait3A_270 : memref<1x!tpu.dma_semaphore, #tpu.memory_space<semaphore_mem>> -> memref<!tpu.dma_semaphore, #tpu.memory_space<semaphore_mem>>
    %dma_wait3A_272 = arith.constant 1024 : i32
    %dma_wait3A_273 = arith.constant 0 : i32
    %dma_wait3A_274 = tpu.memref_slice %arg1[%dma_wait3A_268, %dma_wait3A_272, %dma_wait3A_273] : memref<3x2048x1024xf32, #tpu.memory_space<any>> -> memref<1x512x1024xf32, #tpu.memory_space<any>>
    %dma_wait3A_275 = tpu.memref_squeeze %dma_wait3A_274 : memref<1x512x1024xf32, #tpu.memory_space<any>> -> memref<512x1024xf32, #tpu.memory_space<any>>
    %dma_wait3A_276 = arith.constant 1024 : i32
    %dma_wait3A_277 = arith.constant 0 : i32
    %dma_wait3A_278 = tpu.memref_slice %arg2[%dma_wait3A_276, %dma_wait3A_277] : memref<2048x1024xf32, #tpu.memory_space<vmem>> -> memref<512x1024xf32, #tpu.memory_space<vmem>>
    tpu.wait_dma2 semaphore(%dma_wait3A_271 : memref<!tpu.dma_semaphore, #tpu.memory_space<semaphore_mem>>) src(%dma_wait3A_278 : memref<512x1024xf32, #tpu.memory_space<vmem>>) dst(%dma_wait3A_275 : memref<512x1024xf32, #tpu.memory_space<any>>)
    %dma_wait3A_279 = arith.constant 1 : i32
    %dma_wait3A_280 = arith.constant 1 : i32
    %dma_wait3A_281 = tpu.memref_slice %arg4[%dma_wait3A_280] : memref<3x!tpu.dma_semaphore, #tpu.memory_space<semaphore_mem>> -> memref<1x!tpu.dma_semaphore, #tpu.memory_space<semaphore_mem>>
    %dma_wait3A_282 = tpu.memref_squeeze %dma_wait3A_281 : memref<1x!tpu.dma_semaphore, #tpu.memory_space<semaphore_mem>> -> memref<!tpu.dma_semaphore, #tpu.memory_space<semaphore_mem>>
    %dma_wait3A_283 = arith.constant 1024 : i32
    %dma_wait3A_284 = arith.constant 0 : i32
    %dma_wait3A_285 = tpu.memref_slice %arg1[%dma_wait3A_279, %dma_wait3A_283, %dma_wait3A_284] : memref<3x2048x1024xf32, #tpu.memory_space<any>> -> memref<1x512x1024xf32, #tpu.memory_space<any>>
    %dma_wait3A_286 = tpu.memref_squeeze %dma_wait3A_285 : memref<1x512x1024xf32, #tpu.memory_space<any>> -> memref<512x1024xf32, #tpu.memory_space<any>>
    %dma_wait3A_287 = arith.constant 1024 : i32
    %dma_wait3A_288 = arith.constant 0 : i32
    %dma_wait3A_289 = tpu.memref_slice %arg2[%dma_wait3A_287, %dma_wait3A_288] : memref<2048x1024xf32, #tpu.memory_space<vmem>> -> memref<512x1024xf32, #tpu.memory_space<vmem>>
    tpu.wait_dma2 semaphore(%dma_wait3A_282 : memref<!tpu.dma_semaphore, #tpu.memory_space<semaphore_mem>>) src(%dma_wait3A_289 : memref<512x1024xf32, #tpu.memory_space<vmem>>) dst(%dma_wait3A_286 : memref<512x1024xf32, #tpu.memory_space<any>>)
    %dma_wait3A_290 = arith.constant 2 : i32
    %dma_wait3A_291 = arith.constant 2 : i32
    %dma_wait3A_292 = tpu.memref_slice %arg4[%dma_wait3A_291] : memref<3x!tpu.dma_semaphore, #tpu.memory_space<semaphore_mem>> -> memref<1x!tpu.dma_semaphore, #tpu.memory_space<semaphore_mem>>
    %dma_wait3A_293 = tpu.memref_squeeze %dma_wait3A_292 : memref<1x!tpu.dma_semaphore, #tpu.memory_space<semaphore_mem>> -> memref<!tpu.dma_semaphore, #tpu.memory_space<semaphore_mem>>
    %dma_wait3A_294 = arith.constant 1024 : i32
    %dma_wait3A_295 = arith.constant 0 : i32
    %dma_wait3A_296 = tpu.memref_slice %arg1[%dma_wait3A_290, %dma_wait3A_294, %dma_wait3A_295] : memref<3x2048x1024xf32, #tpu.memory_space<any>> -> memref<1x512x1024xf32, #tpu.memory_space<any>>
    %dma_wait3A_297 = tpu.memref_squeeze %dma_wait3A_296 : memref<1x512x1024xf32, #tpu.memory_space<any>> -> memref<512x1024xf32, #tpu.memory_space<any>>
    %dma_wait3A_298 = arith.constant 1024 : i32
    %dma_wait3A_299 = arith.constant 0 : i32
    %dma_wait3A_300 = tpu.memref_slice %arg2[%dma_wait3A_298, %dma_wait3A_299] : memref<2048x1024xf32, #tpu.memory_space<vmem>> -> memref<512x1024xf32, #tpu.memory_space<vmem>>
    tpu.wait_dma2 semaphore(%dma_wait3A_293 : memref<!tpu.dma_semaphore, #tpu.memory_space<semaphore_mem>>) src(%dma_wait3A_300 : memref<512x1024xf32, #tpu.memory_space<vmem>>) dst(%dma_wait3A_297 : memref<512x1024xf32, #tpu.memory_space<any>>)
    %dma_wait3A_301 = arith.constant 0 : i32
    %dma_wait3A_302 = arith.constant 0 : i32
    %dma_wait3A_303 = tpu.memref_slice %arg4[%dma_wait3A_302] : memref<3x!tpu.dma_semaphore, #tpu.memory_space<semaphore_mem>> -> memref<1x!tpu.dma_semaphore, #tpu.memory_space<semaphore_mem>>
    %dma_wait3A_304 = tpu.memref_squeeze %dma_wait3A_303 : memref<1x!tpu.dma_semaphore, #tpu.memory_space<semaphore_mem>> -> memref<!tpu.dma_semaphore, #tpu.memory_space<semaphore_mem>>
    %dma_wait3A_305 = arith.constant 1536 : i32
    %dma_wait3A_306 = arith.constant 0 : i32
    %dma_wait3A_307 = tpu.memref_slice %arg1[%dma_wait3A_301, %dma_wait3A_305, %dma_wait3A_306] : memref<3x2048x1024xf32, #tpu.memory_space<any>> -> memref<1x512x1024xf32, #tpu.memory_space<any>>
    %dma_wait3A_308 = tpu.memref_squeeze %dma_wait3A_307 : memref<1x512x1024xf32, #tpu.memory_space<any>> -> memref<512x1024xf32, #tpu.memory_space<any>>
    %dma_wait3A_309 = arith.constant 1536 : i32
    %dma_wait3A_310 = arith.constant 0 : i32
    %dma_wait3A_311 = tpu.memref_slice %arg2[%dma_wait3A_309, %dma_wait3A_310] : memref<2048x1024xf32, #tpu.memory_space<vmem>> -> memref<512x1024xf32, #tpu.memory_space<vmem>>
    tpu.wait_dma2 semaphore(%dma_wait3A_304 : memref<!tpu.dma_semaphore, #tpu.memory_space<semaphore_mem>>) src(%dma_wait3A_311 : memref<512x1024xf32, #tpu.memory_space<vmem>>) dst(%dma_wait3A_308 : memref<512x1024xf32, #tpu.memory_space<any>>)
    %dma_wait3A_312 = arith.constant 1 : i32
    %dma_wait3A_313 = arith.constant 1 : i32
    %dma_wait3A_314 = tpu.memref_slice %arg4[%dma_wait3A_313] : memref<3x!tpu.dma_semaphore, #tpu.memory_space<semaphore_mem>> -> memref<1x!tpu.dma_semaphore, #tpu.memory_space<semaphore_mem>>
    %dma_wait3A_315 = tpu.memref_squeeze %dma_wait3A_314 : memref<1x!tpu.dma_semaphore, #tpu.memory_space<semaphore_mem>> -> memref<!tpu.dma_semaphore, #tpu.memory_space<semaphore_mem>>
    %dma_wait3A_316 = arith.constant 1536 : i32
    %dma_wait3A_317 = arith.constant 0 : i32
    %dma_wait3A_318 = tpu.memref_slice %arg1[%dma_wait3A_312, %dma_wait3A_316, %dma_wait3A_317] : memref<3x2048x1024xf32, #tpu.memory_space<any>> -> memref<1x512x1024xf32, #tpu.memory_space<any>>
    %dma_wait3A_319 = tpu.memref_squeeze %dma_wait3A_318 : memref<1x512x1024xf32, #tpu.memory_space<any>> -> memref<512x1024xf32, #tpu.memory_space<any>>
    %dma_wait3A_320 = arith.constant 1536 : i32
    %dma_wait3A_321 = arith.constant 0 : i32
    %dma_wait3A_322 = tpu.memref_slice %arg2[%dma_wait3A_320, %dma_wait3A_321] : memref<2048x1024xf32, #tpu.memory_space<vmem>> -> memref<512x1024xf32, #tpu.memory_space<vmem>>
    tpu.wait_dma2 semaphore(%dma_wait3A_315 : memref<!tpu.dma_semaphore, #tpu.memory_space<semaphore_mem>>) src(%dma_wait3A_322 : memref<512x1024xf32, #tpu.memory_space<vmem>>) dst(%dma_wait3A_319 : memref<512x1024xf32, #tpu.memory_space<any>>)
    %dma_wait3A_323 = arith.constant 2 : i32
    %dma_wait3A_324 = arith.constant 2 : i32
    %dma_wait3A_325 = tpu.memref_slice %arg4[%dma_wait3A_324] : memref<3x!tpu.dma_semaphore, #tpu.memory_space<semaphore_mem>> -> memref<1x!tpu.dma_semaphore, #tpu.memory_space<semaphore_mem>>
    %dma_wait3A_326 = tpu.memref_squeeze %dma_wait3A_325 : memref<1x!tpu.dma_semaphore, #tpu.memory_space<semaphore_mem>> -> memref<!tpu.dma_semaphore, #tpu.memory_space<semaphore_mem>>
    %dma_wait3A_327 = arith.constant 1536 : i32
    %dma_wait3A_328 = arith.constant 0 : i32
    %dma_wait3A_329 = tpu.memref_slice %arg1[%dma_wait3A_323, %dma_wait3A_327, %dma_wait3A_328] : memref<3x2048x1024xf32, #tpu.memory_space<any>> -> memref<1x512x1024xf32, #tpu.memory_space<any>>
    %dma_wait3A_330 = tpu.memref_squeeze %dma_wait3A_329 : memref<1x512x1024xf32, #tpu.memory_space<any>> -> memref<512x1024xf32, #tpu.memory_space<any>>
    %dma_wait3A_331 = arith.constant 1536 : i32
    %dma_wait3A_332 = arith.constant 0 : i32
    %dma_wait3A_333 = tpu.memref_slice %arg2[%dma_wait3A_331, %dma_wait3A_332] : memref<2048x1024xf32, #tpu.memory_space<vmem>> -> memref<512x1024xf32, #tpu.memory_space<vmem>>
    tpu.wait_dma2 semaphore(%dma_wait3A_326 : memref<!tpu.dma_semaphore, #tpu.memory_space<semaphore_mem>>) src(%dma_wait3A_333 : memref<512x1024xf32, #tpu.memory_space<vmem>>) dst(%dma_wait3A_330 : memref<512x1024xf32, #tpu.memory_space<any>>)
    return
  }
}

</mosaic_0001>

<sc_bundles>
// kernel: kernel.4.cloned.1.call-start
scs
__scs_entry_jumppad:
0x0: {  	(pc) =	sbr.rel $0x88, $3  }
0x1: {  	(tag) =	ssettag $0x0;
	lr =	simm.s32 $0x1  }
0x2: {  	[smem:$0x3FA0] =	sst lr;
	_ =	strace $0xD0000000  }
0x3: {  	_ = 	snop  }
0x4: {  	_ = 	snop  }
0x5: {  	_ = 	snop  }
0x6: {  	_ = 	snop  }
0x7: {  	_ = 	snop  }
__scs_overlays_trampoline_lowered:
0x8: {  	[smem:$0x3FAF] =	sst s0  }
0x9: {  	[smem:$0x3FB0] =	sst s1  }
0xa: {  	[smem:$0x3FB1] =	sst s2  }
0xb: {  	[smem:$0x3FB2] =	sst s3  }
0xc: {  	[smem:$0x3FB3] =	sst s4  }
0xd: {  	[smem:$0x3FB4] =	sst s5  }
0xe: {  	[smem:$0x3FB5] =	sst s6  }
0xf: {  	[smem:$0x3FB6] =	sst s7  }
0x10: {  	[smem:$0x3FB7] =	sst s8  }
0x11: {  	[smem:$0x3FB8] =	sst s9;
	s0 =	simm.s32 @!p0 $0x0  }
0x12: {  	s1 =	sld [smem:$0x3F9E];
	s0 =	simm.s32 @p0 $0x1  }
0x13: {  	[smem:$0x3FB9] =	sst s0;
	s0 =	simm.s32 @!p1 $0x0  }
0x14: {  	s2 =	sld [smem:$0x3F9D];
	s0 =	simm.s32 @p1 $0x1  }
0x15: {  	[smem:$0x3FBA] =	sst s0;
	s0 =	simm.s32 @!p2 $0x0  }
0x16: {  	s3 =	sld [smem:$0x3FDB];
	s0 =	simm.s32 @p2 $0x1  }
0x17: {  	s4 =	simm.s32 $0x1BF5;
	[smem:$0x3FBC] =	sst s0  }
0x18: {  	s0 =	sld [smem:$0x3F9F];
	_ =	swait.ge [sflag:s4], $0x0  }
0x19: {  	s7 =	sld [smem:$0x3FA0]  }
0x1a: {  	s8 =	sadd.s32 $0xFFFFE003, lr  }
0x1b: {  	s9 =	sadd.s32 $0xFFFFFEF7, lr;
	s5 =	simm.s32 $0xFFFFFFFF;
	p2 =	slt.u32 s8, $0xFFFFF086  }
0x1c: {  	p1 =	slt.u32 s9, $0xF7A;
	s5 =	simm.s32 @!p2 $0x0  }
0x1d: {  	s5 =	simm.s32 @p1 $0x1;
	p0 =	seq.s32 s7, s2  }
0x1e: {  	s7 =	smul.u32 @!p0 $0xF7A, s2;
	p2 =	seq.s32 @!p0 s5, $0x0  }
0x1f: {  	s9 =	smul.u32 $0xF7A, s1;
	s8 =	simm.s32 @!p0 $0x1BF5;
	p2 =	por !p2, p0  }
0x20: {  	[sflag:s8] =	ssyncset.s32 @!p0 $0xFFFFF086;
	s6 =	sadd.s32 @!p0 s3, s7;
	s7 =	simm.s32 @!p0 $0x108  }
0x21: {  	s3 =	sadd.s32 s3, s9;
	s6 =	sadd.s32 @!p0 $0x88, s6;
	s7 =	simm.s32 @p2 $0x1082  }
0x22: {  	[simem:s7], [sflag:s8] =	dma.local @!p0 [hbm:s6], $0xF7A  }
0x23: {  	s9 =	sor.u32 $0xD0000000, s2;
	s6 =	simm.s32 $0x108;
	_ =	swait.ge @!p0 [sflag:s8], $0x0  }
0x24: {  	s3 =	sadd.s32 $0x88, s3;
	s6 =	simm.s32 @!p1 $0x1082;
	[sflag:s4] =	ssyncset.s32 $0xFFFFF086  }
0x25: {  	[simem:s6], [sflag:s4] =	dma.local [hbm:s3], $0xF7A  }
0x26: {  	[smem:$0x3FA0] =	sst s1;
	(tag) =	ssettag s2;
	_ =	strace s9  }
0x27: {  	s1 =	sld [smem:$0x3FB0]  }
0x28: {  	s2 =	sld [smem:$0x3FB1]  }
0x29: {  	s4 =	sld [smem:$0x3FB3]  }
0x2a: {  	p0 =	seq.s32 s5, $0x0;
	s5 =	sld [smem:$0x3FB4]  }
0x2b: {  	s6 =	sld [smem:$0x3FB5]  }
0x2c: {  	s7 =	sld [smem:$0x3FB6]  }
0x2d: {  	s3 =	simm.s32 $0x108;
	s8 =	sld [smem:$0x3FB7]  }
0x2e: {  	s3 =	simm.s32 @!p0 $0x1082;
	s9 =	sld [smem:$0x3FB8]  }
0x2f: {  	lr =	sadd.s32 s0, s3;
	s0 =	sld [smem:$0x3FAF]  }
0x30: {  	s3 =	sld [smem:$0x3FB2]  }
0x31: {  	[smem:$0x3FBB] =	sst s10  }
0x32: {  	s10 =	sld [smem:$0x3FB9];
	_ =	sdelay $0x3  }
0x33: {  	p0 =	seq.s32 s10, $0x1;
	s10 =	sld [smem:$0x3FBB];
	_ =	sdelay $0x3  }
0x34: {  	[smem:$0x3FBB] =	sst s10  }
0x35: {  	s10 =	sld [smem:$0x3FBA];
	_ =	sdelay $0x3  }
0x36: {  	p1 =	seq.s32 s10, $0x1;
	s10 =	sld [smem:$0x3FBB];
	_ =	sdelay $0x3  }
0x37: {  	[smem:$0x3FBB] =	sst s10  }
0x38: {  	s10 =	sld [smem:$0x3FBC]  }
0x39: {  	_ = 	snop;
	(pc) =	sbr.ind lr, $3  }
0x3a: {  	_ = 	snop  }
0x3b: {  	_ = 	snop  }
0x3c: {  	p2 =	seq.s32 s10, $0x1;
	s10 =	sld [smem:$0x3FBB]  }
0x3d: {  	_ =	shalt  }
0x3e: {  	_ =	shalt  }
0x3f: {  	_ =	shalt  }
0x40: {  	_ =	shalt  }
0x41: {  	_ =	shalt  }
0x42: {  	_ =	shalt  }
0x43: {  	_ =	shalt  }
0x44: {  	_ =	shalt  }
0x45: {  	_ =	shalt  }
0x46: {  	_ =	shalt  }
0x47: {  	_ =	shalt  }
0x48: {  	_ =	shalt  }
0x49: {  	_ =	shalt  }
0x4a: {  	_ =	shalt  }
0x4b: {  	_ =	shalt  }
0x4c: {  	_ =	shalt  }
0x4d: {  	_ =	shalt  }
0x4e: {  	_ =	shalt  }
0x4f: {  	_ =	shalt  }
0x50: {  	_ =	shalt  }
0x51: {  	_ =	shalt  }
0x52: {  	_ =	shalt  }
0x53: {  	_ =	shalt  }
0x54: {  	_ =	shalt  }
0x55: {  	_ =	shalt  }
0x56: {  	_ =	shalt  }
0x57: {  	_ =	shalt  }
0x58: {  	_ =	shalt  }
0x59: {  	_ =	shalt  }
0x5a: {  	_ =	shalt  }
0x5b: {  	_ =	shalt  }
0x5c: {  	_ =	shalt  }
0x5d: {  	_ =	shalt  }
0x5e: {  	_ =	shalt  }
0x5f: {  	_ =	shalt  }
0x60: {  	_ =	shalt  }
0x61: {  	_ =	shalt  }
0x62: {  	_ =	shalt  }
0x63: {  	_ =	shalt  }
0x64: {  	_ =	shalt  }
0x65: {  	_ =	shalt  }
0x66: {  	_ =	shalt  }
0x67: {  	_ =	shalt  }
0x68: {  	_ =	shalt  }
0x69: {  	_ =	shalt  }
0x6a: {  	_ =	shalt  }
0x6b: {  	_ =	shalt  }
0x6c: {  	_ =	shalt  }
0x6d: {  	_ =	shalt  }
0x6e: {  	_ =	shalt  }
0x6f: {  	_ =	shalt  }
0x70: {  	_ =	shalt  }
0x71: {  	_ =	shalt  }
0x72: {  	_ =	shalt  }
0x73: {  	_ =	shalt  }
0x74: {  	_ =	shalt  }
0x75: {  	_ =	shalt  }
0x76: {  	_ =	shalt  }
0x77: {  	_ =	shalt  }
0x78: {  	_ =	shalt  }
0x79: {  	_ =	shalt  }
0x7a: {  	_ =	shalt  }
0x7b: {  	_ =	shalt  }
0x7c: {  	_ =	shalt  }
0x7d: {  	_ =	shalt  }
0x7e: {  	_ =	shalt  }
0x7f: {  	_ =	shalt  }
0x80: {  	_ =	shalt  }
0x81: {  	_ =	shalt  }
0x82: {  	_ =	shalt  }
0x83: {  	_ =	shalt  }
0x84: {  	_ =	shalt  }
0x85: {  	_ =	shalt  }
0x86: {  	_ =	shalt  }
0x87: {  	_ =	shalt  }
.Lfunc_end0:
.L_simem_size_0:
called_computation_lowered:
.L_overlay_start_0:
0x88: {  	s2 =	sld [smem:$0x3FD9]  }
0x89: {  	s3 =	sld [smem:$0x3FFE];
	_ =	sdelay $0x1  }
0x8a: {  	s1 =	srdreg.scid  }
0x8b: {  	s0 =	sand.u32 $0x1, s1  }
0x8c: {  	s17 =	sshll.u32 s0, $0xA;
	s2 =	sadd.s32 s3, s2  }
0x8d: {  	s2 =	sadd.s32 s2, s17  }
0x8e: {  	[smem:$0x3FC7] =	sst s2  }
0x8f: {  	_ = 	snop  }
0x90: {  	s2 =	sld [smem:$0x3FC9];
	(tm) =	ssettm $0x1  }
0x91: {  	s18 =	sld [smem:$0x3FFB];
	_ =	sdelay $0x3  }
0x92: {  	_ =	strace s18  }
0x93: {  	s3 =	sld [smem:$0x3FFC];
	_ =	sdelay $0x3  }
0x94: {  	_ =	strace s3  }
0x95: {  	s3 =	sld [smem:$0x3FFD];
	_ =	sdelay $0x3  }
0x96: {  	_ =	strace s3  }
0x97: {  	_ =	strace $0x8FFFFFFF  }
0x98: {  	s19 =	sld [smem:$0x3FDB];
	_ =	sdelay $0x1  }
0x99: {  	s4 =	simm.s32 $_scs_section_size  }
0x9a: {  	s5 =	simm.s32 $_size__tile_overlayer_lowered;
	s6 =	simm.s32 $_tile_overlayer_lowered  }
0x9b: {  	s22 =	simm.s32 $0x1BFF;
	s21 =	sshll.u32 s6, $0x1;
	s3 =	sadd.s32 s4, s19  }
0x9c: {  	s7 =	simm.s32 $0x0;
	s20 =	sshll.u32 s5, $0x1;
	s5 =	sadd.s32 s21, s3  }
0x9d: {  	[timem:s7], [sflag:s22] =	dma.local [hbm:s5], s20  }
0x9e: {  	_ =	swait.ge [sflag:s22], s20  }
0x9f: {  	s4 =	ssub.s32 $0x0, s20;
	[sflag:s22] =	ssyncset.done $0x0  }
0xa0: {  	[sflag:s22] =	ssyncadd.s32 s4;
	_ =	sdelay $0x1  }
0xa1: {  	s23 =	simm.s32 $0x1B8B  }
0xa2: {  	_ =	swait.ge [sflag:s23], $0x1  }
0xa3: {  	[sflag:s23] =	ssyncset.done $0x0  }
0xa4: {  	s25 =	simm.s32 $0x1B8E;
	s24 =	sld [smem:$0x3FFE];
	[sflag:s23] =	ssyncadd.s32 $0xFFFFFFFF  }
0xa5: {  	s26 =	simm.s32 $execute0_lowered;
	[smem:$0x3FD2] =	sst s25  }
0xa6: {  	s5 =	sshll.u32 s26, $0x1;
	_ =	strace $0x80000046;
	[dreg:$0x1] =	wrdreg $0xFFFFFFFF  }
0xa7: {  	s28 =	simm.s32 $_size_execute0_lowered;
	s3 =	sadd.s32 s3, s5;
	[dreg:$0x0] =	wrdreg $0x0  }
0xa8: {  	s5 =	sshll.u32 s28, $0x1;
	[dreg:$0x2] =	wrdreg s3  }
0xa9: {  	[dreg:$0x3] =	wrdreg s5  }
0xaa: {  	[dreg:$0x4] =	wrdreg $0xC0  }
0xab: {  	_ =	task [dreg:s7], $0x5FFFF  }
0xac: {  	[dreg:$0x1] =	wrdreg $0xFFFFFFFF  }
0xad: {  	[dreg:$0x0] =	wrdreg $0x60  }
0xae: {  	[dreg:$0x2] =	wrdreg s2  }
0xaf: {  	[dreg:$0x3] =	wrdreg s24  }
0xb0: {  	[dreg:$0x4] =	wrdreg $0x9  }
0xb1: {  	_ =	task.clear_ibuf [dreg:s7], $0x5FFFF;
	_ =	strace $0x90000046  }
0xb2: {  	s29 =	simm.s32 $0x9;
	_ =	strace $0x80000048  }
0xb3: {  	_ =	swait.ge [sflag:s29], $0x1  }
0xb4: {  	[sflag:s29] =	ssyncadd.s32 $0xFFFFFFFF  }
0xb5: {  	_ =	strace $0x90000048  }
0xb6: {  	_ =	sfence  }
0xb7: {  	s30 =	sld [smem:$0x0];
	_ =	sdelay $0x2  }
0xb8: {  	s31 =	sshll.u32 s1, $0xD;
	s1 =	sshrl.u32 s1, $0x2  }
0xb9: {  	s3 =	sand.u32 $0x4000, s31;
	s1 =	sadd.s32 s1, s30  }
0xba: {  	s0 =	sor.u32 s3, s0;
	s1 =	sshll.u32 s1, $0x11  }
0xbb: {  	s0 =	sor.u32 s1, s0  }
0xbc: {  	s0 =	sadd.s32 $0x8F2B, s0  }
0xbd: {  	[sflag:s0] =	ssyncadd.remote.s32 $0x1  }
0xbe: {  	_ =	sfence.sel $0xFFFF  }
0xbf: {  	[dreg:$0x0] =	wrdreg $0xFFFFFFFF;
	(pc) =	sbr.abs _section_cstart, $3  }
0xc0: {  	[dreg:$0x1] =	wrdreg $0xFFFFFFFF  }
0xc1: {  	_ =	task.clear_ibuf [dreg:s7], $0x2FFFF;
	_ =	strace $0x9FFFFFFF  }
0xc2: {  	(tm) =	ssettm $0x7FFFFFFF  }
0xc3: {  	_ =	shalt  }
tec
execute0_lowered:
.L_overlay_start_1:
0x0: {  	(tag) =	ssettag $0x1  }
0x1: {  	s3 =	rddreg [dreg:$0x0]  }
0x2: {  	s5 =	rddreg [dreg:$0x1]  }
0x3: {  	s0 =	rddreg [dreg:$0x2];
	s4 =	srdreg.scid;
	s2 =	simm.s32 $0x0  }
0x4: {  	s1 =	stileid.u32;
	s4 =	sand.u32 $0x1, s4;
	[smem:$0x7FF] =	sst s2  }
0x5: {  	s6 =	sshll.u32 s1, $0xE;
	s7 =	sshll.u32 s4, $0xD;
	s30 =	ssub.s32 $0x2, s4  }
0x6: {  	_ =	strace $0x80000047;
	s6 =	sor.u32 s7, s6;
	s31 =	sshrl.u32 s30, $0x1  }
0x7: {  	s3 =	sadd.s32 s3, s6;
	s5 =	sadd.s32 s6, s5;
	s6 =	ssub.s32 s30, s31  }
0x8: {  	[tilespmem:s2], [sflag:$0x2] =	stream.linear.gather [hbm4b:s3+s2], $0x10000, $0x38;
	[tilespmem:$0x10000] =	vst v63  }
0x9: {  	s4 =	simm.s32 $0x2;
	s7 =	smax.u32 s6, $0x1  }
0xa: {  	_ =	swait.ge [sflag:s4], $0x10000;
	p0 =	sne.s32 s7, $0x1  }
.Ltmp0:
0xb: {  	[sflag:s4] =	ssyncset.done $0x0;
	(pc) =	sbr.rel @!p0 .LBB2_2-.Ltmp0, $4  }
0xc: {  	s5 =	sadd.s32 $0x600, s5;
	s6 =	simm.s32 $0x1;
	[sflag:s4] =	ssyncadd.s32 $0xFFFF0000  }
0xd: {  	[hbm4b:s5+s2] =	stream.linear.scatter [tilespmem:s2], [sflag:$0x1], $0x10000, $0x38;
	[tilespmem:$0x10000] =	vst v63  }
0xe: {  	_ =	swait.ge [sflag:s6], $0x10000  }
0xf: {  	s7 =	sadd.s32 $0xFFFFFFFF, s7;
	[sflag:s6] =	ssyncset.done $0x0  }
.LBB2_1:
0x10: {  	p0 =	sne.s32 s7, $0x1;
	s7 =	sadd.s32 $0xFFFFFFFF, s7;
	[sflag:s6] =	ssyncadd.s32 $0xFFFF0000  }
0x11: {  	[tilespmem:s2], [sflag:$0x2] =	stream.linear.gather [hbm4b:s3+s2], $0x10000, $0x38;
	[tilespmem:$0x10000] =	vst v63  }
0x12: {  	_ =	swait.ge [sflag:s4], $0x10000  }
.Ltmp1:
0x13: {  	[sflag:s4] =	ssyncset.done $0x0;
	(pc) =	sbr.rel @p0 .LBB2_1-.Ltmp1, $4  }
0x14: {  	[sflag:s4] =	ssyncadd.s32 $0xFFFF0000  }
0x15: {  	[hbm4b:s5+s2] =	stream.linear.scatter [tilespmem:s2], [sflag:$0x1], $0x10000, $0x38;
	[tilespmem:$0x10000] =	vst v63  }
0x16: {  	_ =	swait.ge [sflag:s6], $0x10000  }
0x17: {  	[sflag:s6] =	ssyncset.done $0x0  }
.LBB2_2:
0x18: {  	[sflag:s6] =	ssyncadd.s32 $0xFFFF0000  }
0x19: {  	_ =	sfence.sel $0x180000  }
0x1a: {  	[bflag:$0x0] =	sbarrier.arrive $0xFFFF  }
0x1b: {  	p0 =	sne.s32 s1, $0x0;
	_ =	strace $0x90000047  }
0x1c: {  	s0 =	sadd.s32 @!p0 $0x100000, s0;
	[bflag:$0x2] =	sbarrier.arrive $0xFFFF  }
0x1d: {  	[sflag:s0] =	ssyncadd.tile.s32 @!p0 $0x1;
	_ =	shalt  }
.Lfunc_end2:
_tile_overlayer_lowered:
.L_overlay_start_2:
0x1e: {  	(tag) =	ssettag $0x2  }
0x1f: {  	s0 =	rddreg [dreg:$0x0];
	s2 =	stileid.u32  }
0x20: {  	s1 =	rddreg [dreg:$0x1];
	p0 =	sne.s32 s2, $0x0  }
0x21: {  	s3 =	rddreg [dreg:$0x2];
	[bflag:$0x3] =	sbarrier.arrive $0xFFFF;
	s2 =	simm.s32 @!p0 $0x1C02  }
0x22: {  	[timem:s3], [sflag:s2] =	dma.local @!p0 [hbm:s0], s1  }
0x23: {  	s0 =	simm.s32 @!p0 $0x2  }
0x24: {  	_ =	swait.ge @!p0 [sflag:s0], s1  }
0x25: {  	s1 =	ssub.s32 @!p0 $0x0, s1;
	[sflag:s0] =	ssyncset.done @!p0 $0x0  }
0x26: {  	[sflag:s0] =	ssyncadd.s32 @!p0 s1  }
0x27: {  	[bflag:$0x3] =	sbarrier.arrive $0xFFFF  }
0x28: {  	_ =	shalt  }

</sc_bundles>
